<compile_context>
chip_gen: v7x
topology: tpu7x:2x2x1
jax: 0.10.2.dev20260603
libtpu: 0.0.44.dev20260713+nightly
codegen_flags: <defaults>
</compile_context>

<pallas_src>
import functools
import math

import jax
import jax.numpy as jnp
from jax import lax
from jax.experimental import pallas as pl
from jax.experimental.pallas import tpu as pltpu
from jax.experimental.pallas import tpu_sc as plsc

_M = 0.5
_COS_M = math.cos(_M)
_SIN_M = math.sin(_M)
_TH = math.cos(math.pi - _M)
_MM = math.sin(math.pi - _M) * _M
_EPS = 1e-07

_BR = 8
_L = 16


def _rsqrt16(x):
    i = lax.bitcast_convert_type(x, jnp.int32)
    i = jnp.int32(0x5F3759DF) - lax.shift_right_logical(i, 1)
    y = lax.bitcast_convert_type(i, jnp.float32)
    for _ in range(3):
        y = y * (1.5 - 0.5 * x * y * y)
    return y


def _phi16(x):
    ct = jnp.minimum(jnp.maximum(x, -1.0 + _EPS), 1.0 - _EPS)
    one_m = 1.0 - ct * ct
    sine = one_m * _rsqrt16(one_m)
    phi = ct * _COS_M - sine * _SIN_M
    return jnp.where(ct > _TH, phi, ct - _MM)


@functools.cache
def _make_sc_gather_phi(n_rows, n_cols):
    info = plsc.get_sparse_core_info()
    nc, ns = info.num_cores, info.num_subcores
    nw = nc * ns
    b_per_w = n_rows // nw
    mesh = plsc.VectorSubcoreMesh(core_axis_name="c", subcore_axis_name="s")

    @functools.partial(
        pl.kernel,
        mesh=mesh,
        out_type=jax.ShapeDtypeStruct((n_rows,), jnp.float32),
        scratch_types=[
            pltpu.VMEM((b_per_w,), jnp.int32),
            pltpu.VMEM((b_per_w,), jnp.float32),
            pltpu.VMEM((b_per_w,), jnp.int32),
            pltpu.SemaphoreType.DMA,
        ],
    )
    def sc_gather_phi(flat_hbm, lab_hbm, out_hbm, idx_v, val_v, lab_v, sem):
        wid = lax.axis_index("s") * nc + lax.axis_index("c")
        base = wid * b_per_w
        pltpu.sync_copy(lab_hbm.at[pl.ds(base, b_per_w)], lab_v)
        lane = lax.iota(jnp.int32, _L)
        for j in range(b_per_w // _L):
            row = base + j * _L + lane
            idx_v[pl.ds(j * _L, _L)] = row * n_cols + lab_v[pl.ds(j * _L, _L)]
        pltpu.async_copy(flat_hbm.at[idx_v], val_v, sem).wait()
        for j in range(b_per_w // _L):
            val_v[pl.ds(j * _L, _L)] = _phi16(val_v[pl.ds(j * _L, _L)])
        pltpu.sync_copy(val_v, out_hbm.at[pl.ds(base, b_per_w)])

    return sc_gather_phi


def _tc_body(s_ref, lab_ref, phi_ref, x_ref, o_ref):
    x = x_ref[...]
    col = lax.broadcasted_iota(jnp.int32, x.shape, 1)
    o_ref[...] = jnp.where(col == lab_ref[...], phi_ref[...], x) * s_ref[0, 0]


def kernel(cosine, labels, s):
    n_rows, n_cols = cosine.shape
    lab = labels.astype(jnp.int32)
    s_arr = jnp.asarray(s, jnp.float32).reshape(1, 1)

    phi = _make_sc_gather_phi(n_rows, n_cols)(cosine.reshape(-1), lab)

    grid = (n_rows // _BR,)
    return pl.pallas_call(
        _tc_body,
        grid=grid,
        in_specs=[
            pl.BlockSpec(memory_space=pltpu.SMEM),
            pl.BlockSpec((_BR, 1), lambda i: (i, 0)),
            pl.BlockSpec((_BR, 1), lambda i: (i, 0)),
            pl.BlockSpec((_BR, n_cols), lambda i: (i, 0)),
        ],
        out_specs=pl.BlockSpec((_BR, n_cols), lambda i: (i, 0)),
        out_shape=jax.ShapeDtypeStruct((n_rows, n_cols), cosine.dtype),
        compiler_params=pltpu.CompilerParams(
            dimension_semantics=("parallel",),
        ),
    )(s_arr, lab.reshape(n_rows, 1), phi.reshape(n_rows, 1), cosine)

# --- scband reference (transcript-rebuilt; emitter-appended) ---
"""Pipeline reference for scband-arc-face-base-1005022347985 (READ-ONLY COPY).

The authoritative reference and input builder live on the scoring server;
editing this copy changes nothing except your own understanding.
"""

import math
import jax, jax.numpy as jnp
import numpy as np

M = 0.5
COS_M = math.cos(M)
SIN_M = math.sin(M)
TH = math.cos(math.pi - M)
MM = math.sin(math.pi - M) * M
EPS = 1e-07


def setup_inputs(seed: int = 0) -> dict:
    key = jax.random.key(seed)
    k1, k2 = jax.random.split(key)
    cosine = jax.random.normal(k1, (1024, 100000), dtype=jnp.float32)
    labels = jax.random.randint(k2, (1024,), 0, 100000, dtype=jnp.int64)
    return {"cosine": cosine, "labels": labels, "s": 64}


def reference(cosine, labels, s):
    idx = labels.astype(jnp.int32)
    # gather target-class cosine per row
    cos_target = jnp.take_along_axis(cosine, idx[:, None], axis=1)
    cos_target = jnp.clip(cos_target, -1.0 + EPS, 1.0 - EPS)
    sine_target = jnp.sqrt(1.0 - cos_target ** 2)
    phi_target = cos_target * COS_M - sine_target * SIN_M
    phi_target = jnp.where(cos_target > TH, phi_target, cos_target - MM)
    # scatter-overwrite phi into the target column of each row
    rows = jnp.arange(cosine.shape[0])
    output = cosine.at[rows, idx].set(phi_target[:, 0].astype(cosine.dtype))
    return output * s

if __name__ == "__main__":
    import jax
    _d = setup_inputs()
    print(jax.jit(kernel)(*tuple(_d.values())))

</pallas_src>

<mosaic_0001>
#map = affine_map<(d0, d1) -> (0)>
module attributes {stable_mosaic.version = 14 : i64} {
  func.func @sc_gather_phi(%arg0: i32, %arg1: i32, %arg2: memref<102400000xf32, #tpu.memory_space<hbm>>, %arg3: memref<1024xi32, #tpu.memory_space<hbm>>, %arg4: memref<1024xf32, #tpu.memory_space<hbm>>, %arg5: memref<32xi32, #tpu.memory_space<vmem>>, %arg6: memref<32xf32, #tpu.memory_space<vmem>>, %arg7: memref<32xi32, #tpu.memory_space<vmem>>, %arg8: memref<!tpu.dma_semaphore, #tpu.memory_space<semaphore_mem>>) attributes {dimension_semantics = [#tpu.dimension_semantics<core_parallel>, #tpu.dimension_semantics<subcore_parallel>], iteration_bounds = array<i64: 2, 16>, scalar_prefetch = 0 : i64, scratch_operands = 4 : i64, tpu.core_type = #tpu.core_type<sc_vector_subcore>, window_params = [{transform_indices = #map}, {transform_indices = #map}, {transform_indices = #map}]} {
    %mul3A = arith.constant 2 : i32
    %mul3A_0 = arith.muli %arg1, %mul3A : i32
    %add3A = arith.addi %mul3A_0, %arg0 : i32
    %mul3A_1 = arith.constant 32 : i32
    %mul3A_2 = arith.muli %add3A, %mul3A_1 : i32
    "tpu.region"() ({
      %run_scoped3A = tpu.sem_alloc : memref<!tpu.dma_semaphore, #tpu.memory_space<semaphore_mem>>
      %dma_start3A_160 = tpu.memref_slice %arg3[%mul3A_2] : memref<1024xi32, #tpu.memory_space<hbm>> -> memref<32xi32, #tpu.memory_space<hbm>>
      %dma_start3A_161 = tpu.memref_slice %arg3[%mul3A_2] : memref<1024xi32, #tpu.memory_space<hbm>> -> memref<32xi32, #tpu.memory_space<hbm>>
      tpu.enqueue_dma source(%dma_start3A_161 : memref<32xi32, #tpu.memory_space<hbm>>) target(%arg7 : memref<32xi32, #tpu.memory_space<vmem>>) target_semaphore(%run_scoped3A : memref<!tpu.dma_semaphore, #tpu.memory_space<semaphore_mem>>)
      %dma_wait3A_162 = tpu.memref_slice %arg3[%mul3A_2] : memref<1024xi32, #tpu.memory_space<hbm>> -> memref<32xi32, #tpu.memory_space<hbm>>
      %dma_wait3A_163 = tpu.memref_slice %arg3[%mul3A_2] : memref<1024xi32, #tpu.memory_space<hbm>> -> memref<32xi32, #tpu.memory_space<hbm>>
      tpu.wait_dma2 semaphore(%run_scoped3A : memref<!tpu.dma_semaphore, #tpu.memory_space<semaphore_mem>>) src(%dma_wait3A_163 : memref<32xi32, #tpu.memory_space<hbm>>) dst(%arg7 : memref<32xi32, #tpu.memory_space<vmem>>)
      tpu.yield
    }) : () -> ()
    %iota3A = tpu.iota {dimensions = array<i32: 0>} : vector<16xi32>
    %add3A_3 = arith.constant 0 : i32
    %add3A_4 = arith.addi %mul3A_2, %add3A_3 : i32
    %add3A_5 = vector.broadcast %add3A_4 : i32 to vector<16xi32>
    %add3A_6 = arith.addi %add3A_5, %iota3A : vector<16xi32>
    %mul3A_7 = arith.constant 100000 : i32
    %mul3A_8 = vector.broadcast %mul3A_7 : i32 to vector<16xi32>
    %mul3A_9 = arith.muli %add3A_6, %mul3A_8 : vector<16xi32>
    %get3A = arith.constant 0 : index
    %get3A_10 = tpu.vector_load %arg7[%get3A] {strides = array<i32>} : memref<32xi32, #tpu.memory_space<vmem>>, vector<16xi32>,
    %get3A_11 = vector.shape_cast %get3A_10 : vector<16xi32> to vector<16xi32>
    %add3A_12 = arith.addi %mul3A_9, %get3A_11 : vector<16xi32>
    %swap3A = arith.constant 0 : index
    %swap3A_13 = tpu.vector_load %arg5[%swap3A] {strides = array<i32>} : memref<32xi32, #tpu.memory_space<vmem>>, vector<16xi32>,
    %swap3A_14 = vector.shape_cast %swap3A_13 : vector<16xi32> to vector<16xi32>
    %swap3A_15 = vector.shape_cast %add3A_12 : vector<16xi32> to vector<16xi32>
    tpu.vector_store %arg5[%swap3A], %swap3A_15 {strides = array<i32>} : memref<32xi32, #tpu.memory_space<vmem>>, vector<16xi32>,
    %add3A_16 = arith.constant 16 : i32
    %add3A_17 = arith.addi %mul3A_2, %add3A_16 : i32
    %add3A_18 = vector.broadcast %add3A_17 : i32 to vector<16xi32>
    %add3A_19 = arith.addi %add3A_18, %iota3A : vector<16xi32>
    %mul3A_20 = arith.constant 100000 : i32
    %mul3A_21 = vector.broadcast %mul3A_20 : i32 to vector<16xi32>
    %mul3A_22 = arith.muli %add3A_19, %mul3A_21 : vector<16xi32>
    %get3A_23 = arith.constant 16 : index
    %get3A_24 = tpu.vector_load %arg7[%get3A_23] {strides = array<i32>} : memref<32xi32, #tpu.memory_space<vmem>>, vector<16xi32>,
    %get3A_25 = vector.shape_cast %get3A_24 : vector<16xi32> to vector<16xi32>
    %add3A_26 = arith.addi %mul3A_22, %get3A_25 : vector<16xi32>
    %swap3A_27 = arith.constant 16 : index
    %swap3A_28 = tpu.vector_load %arg5[%swap3A_27] {strides = array<i32>} : memref<32xi32, #tpu.memory_space<vmem>>, vector<16xi32>,
    %swap3A_29 = vector.shape_cast %swap3A_28 : vector<16xi32> to vector<16xi32>
    %swap3A_30 = vector.shape_cast %add3A_26 : vector<16xi32> to vector<16xi32>
    tpu.vector_store %arg5[%swap3A_27], %swap3A_30 {strides = array<i32>} : memref<32xi32, #tpu.memory_space<vmem>>, vector<16xi32>,
    %dma_start3A = arith.constant 0 : i32
    %dma_start3A_31 = tpu.memref_slice %arg2[%dma_start3A] : memref<102400000xf32, #tpu.memory_space<hbm>> -> memref<102400000xf32, #tpu.memory_space<hbm>>
    tpu.enqueue_indirect_dma source(%dma_start3A_31 : memref<102400000xf32, #tpu.memory_space<hbm>>) target(%arg6 : memref<32xf32, #tpu.memory_space<vmem>>) offsets(%arg5 : memref<32xi32, #tpu.memory_space<vmem>>) semaphore(%arg8 : memref<!tpu.dma_semaphore, #tpu.memory_space<semaphore_mem>>)
    %dma_wait3A = arith.constant 0 : i32
    %dma_wait3A_32 = tpu.memref_slice %arg2[%dma_wait3A] : memref<102400000xf32, #tpu.memory_space<hbm>> -> memref<102400000xf32, #tpu.memory_space<hbm>>
    tpu.wait_indirect_dma semaphore(%arg8 : memref<!tpu.dma_semaphore, #tpu.memory_space<semaphore_mem>>) src(%dma_wait3A_32 : memref<102400000xf32, #tpu.memory_space<hbm>>) dst(%arg6 : memref<32xf32, #tpu.memory_space<vmem>>)
    %get3A_33 = arith.constant 0 : index
    %get3A_34 = tpu.vector_load %arg6[%get3A_33] {strides = array<i32>} : memref<32xf32, #tpu.memory_space<vmem>>, vector<16xf32>,
    %get3A_35 = vector.shape_cast %get3A_34 : vector<16xf32> to vector<16xf32>
    %max3A = arith.constant -0.99999988 : f32
    %max3A_36 = vector.broadcast %max3A : f32 to vector<16xf32>
    %max3A_37 = arith.maximumf %get3A_35, %max3A_36 : vector<16xf32>
    %min3A = arith.constant 0.99999988 : f32
    %min3A_38 = vector.broadcast %min3A : f32 to vector<16xf32>
    %min3A_39 = arith.minimumf %max3A_37, %min3A_38 : vector<16xf32>
    %mul3A_40 = arith.mulf %min3A_39, %min3A_39 : vector<16xf32>
    %sub3A = arith.constant 1.000000e+00 : f32
    %sub3A_41 = vector.broadcast %sub3A : f32 to vector<16xf32>
    %sub3A_42 = arith.subf %sub3A_41, %mul3A_40 : vector<16xf32>
    %bitcast_convert_type3A = tpu.bitcast %sub3A_42 : vector<16xf32> -> vector<16xi32>
    %shift_right_logical3A = arith.constant 1 : i32
    %shift_right_logical3A_43 = vector.broadcast %shift_right_logical3A : i32 to vector<16xi32>
    %shift_right_logical3A_44 = arith.shrui %bitcast_convert_type3A, %shift_right_logical3A_43 : vector<16xi32>
    %sub3A_45 = arith.constant 1597463007 : i32
    %sub3A_46 = vector.broadcast %sub3A_45 : i32 to vector<16xi32>
    %sub3A_47 = arith.subi %sub3A_46, %shift_right_logical3A_44 : vector<16xi32>
    %bitcast_convert_type3A_48 = tpu.bitcast %sub3A_47 : vector<16xi32> -> vector<16xf32>
    %mul3A_49 = arith.constant 5.000000e-01 : f32
    %mul3A_50 = vector.broadcast %mul3A_49 : f32 to vector<16xf32>
    %mul3A_51 = arith.mulf %mul3A_50, %sub3A_42 : vector<16xf32>
    %mul3A_52 = arith.mulf %mul3A_51, %bitcast_convert_type3A_48 : vector<16xf32>
    %mul3A_53 = arith.mulf %mul3A_52, %bitcast_convert_type3A_48 : vector<16xf32>
    %sub3A_54 = arith.constant 1.500000e+00 : f32
    %sub3A_55 = vector.broadcast %sub3A_54 : f32 to vector<16xf32>
    %sub3A_56 = arith.subf %sub3A_55, %mul3A_53 : vector<16xf32>
    %mul3A_57 = arith.mulf %bitcast_convert_type3A_48, %sub3A_56 : vector<16xf32>
    %mul3A_58 = arith.constant 5.000000e-01 : f32
    %mul3A_59 = vector.broadcast %mul3A_58 : f32 to vector<16xf32>
    %mul3A_60 = arith.mulf %mul3A_59, %sub3A_42 : vector<16xf32>
    %mul3A_61 = arith.mulf %mul3A_60, %mul3A_57 : vector<16xf32>
    %mul3A_62 = arith.mulf %mul3A_61, %mul3A_57 : vector<16xf32>
    %sub3A_63 = arith.constant 1.500000e+00 : f32
    %sub3A_64 = vector.broadcast %sub3A_63 : f32 to vector<16xf32>
    %sub3A_65 = arith.subf %sub3A_64, %mul3A_62 : vector<16xf32>
    %mul3A_66 = arith.mulf %mul3A_57, %sub3A_65 : vector<16xf32>
    %mul3A_67 = arith.constant 5.000000e-01 : f32
    %mul3A_68 = vector.broadcast %mul3A_67 : f32 to vector<16xf32>
    %mul3A_69 = arith.mulf %mul3A_68, %sub3A_42 : vector<16xf32>
    %mul3A_70 = arith.mulf %mul3A_69, %mul3A_66 : vector<16xf32>
    %mul3A_71 = arith.mulf %mul3A_70, %mul3A_66 : vector<16xf32>
    %sub3A_72 = arith.constant 1.500000e+00 : f32
    %sub3A_73 = vector.broadcast %sub3A_72 : f32 to vector<16xf32>
    %sub3A_74 = arith.subf %sub3A_73, %mul3A_71 : vector<16xf32>
    %mul3A_75 = arith.mulf %mul3A_66, %sub3A_74 : vector<16xf32>
    %mul3A_76 = arith.mulf %sub3A_42, %mul3A_75 : vector<16xf32>
    %mul3A_77 = arith.constant 0.87758255 : f32
    %mul3A_78 = vector.broadcast %mul3A_77 : f32 to vector<16xf32>
    %mul3A_79 = arith.mulf %min3A_39, %mul3A_78 : vector<16xf32>
    %mul3A_80 = arith.constant 0.47942555 : f32
    %mul3A_81 = vector.broadcast %mul3A_80 : f32 to vector<16xf32>
    %mul3A_82 = arith.mulf %mul3A_76, %mul3A_81 : vector<16xf32>
    %sub3A_83 = arith.subf %mul3A_79, %mul3A_82 : vector<16xf32>
    %gt3A = arith.constant -0.87758255 : f32
    %gt3A_84 = vector.broadcast %gt3A : f32 to vector<16xf32>
    %gt3A_85 = arith.cmpf ogt, %min3A_39, %gt3A_84 : vector<16xf32>
    %sub3A_86 = arith.constant 0.239712775 : f32
    %sub3A_87 = vector.broadcast %sub3A_86 : f32 to vector<16xf32>
    %sub3A_88 = arith.subf %min3A_39, %sub3A_87 : vector<16xf32>
    %select_n3A = arith.select %gt3A_85, %sub3A_83, %sub3A_88 : vector<16xi1>, vector<16xf32>
    %swap3A_89 = arith.constant 0 : index
    %swap3A_90 = tpu.vector_load %arg6[%swap3A_89] {strides = array<i32>} : memref<32xf32, #tpu.memory_space<vmem>>, vector<16xf32>,
    %swap3A_91 = vector.shape_cast %swap3A_90 : vector<16xf32> to vector<16xf32>
    %swap3A_92 = vector.shape_cast %select_n3A : vector<16xf32> to vector<16xf32>
    tpu.vector_store %arg6[%swap3A_89], %swap3A_92 {strides = array<i32>} : memref<32xf32, #tpu.memory_space<vmem>>, vector<16xf32>,
    %get3A_93 = arith.constant 16 : index
    %get3A_94 = tpu.vector_load %arg6[%get3A_93] {strides = array<i32>} : memref<32xf32, #tpu.memory_space<vmem>>, vector<16xf32>,
    %get3A_95 = vector.shape_cast %get3A_94 : vector<16xf32> to vector<16xf32>
    %max3A_96 = arith.constant -0.99999988 : f32
    %max3A_97 = vector.broadcast %max3A_96 : f32 to vector<16xf32>
    %max3A_98 = arith.maximumf %get3A_95, %max3A_97 : vector<16xf32>
    %min3A_99 = arith.constant 0.99999988 : f32
    %min3A_100 = vector.broadcast %min3A_99 : f32 to vector<16xf32>
    %min3A_101 = arith.minimumf %max3A_98, %min3A_100 : vector<16xf32>
    %mul3A_102 = arith.mulf %min3A_101, %min3A_101 : vector<16xf32>
    %sub3A_103 = arith.constant 1.000000e+00 : f32
    %sub3A_104 = vector.broadcast %sub3A_103 : f32 to vector<16xf32>
    %sub3A_105 = arith.subf %sub3A_104, %mul3A_102 : vector<16xf32>
    %bitcast_convert_type3A_106 = tpu.bitcast %sub3A_105 : vector<16xf32> -> vector<16xi32>
    %shift_right_logical3A_107 = arith.constant 1 : i32
    %shift_right_logical3A_108 = vector.broadcast %shift_right_logical3A_107 : i32 to vector<16xi32>
    %shift_right_logical3A_109 = arith.shrui %bitcast_convert_type3A_106, %shift_right_logical3A_108 : vector<16xi32>
    %sub3A_110 = arith.constant 1597463007 : i32
    %sub3A_111 = vector.broadcast %sub3A_110 : i32 to vector<16xi32>
    %sub3A_112 = arith.subi %sub3A_111, %shift_right_logical3A_109 : vector<16xi32>
    %bitcast_convert_type3A_113 = tpu.bitcast %sub3A_112 : vector<16xi32> -> vector<16xf32>
    %mul3A_114 = arith.constant 5.000000e-01 : f32
    %mul3A_115 = vector.broadcast %mul3A_114 : f32 to vector<16xf32>
    %mul3A_116 = arith.mulf %mul3A_115, %sub3A_105 : vector<16xf32>
    %mul3A_117 = arith.mulf %mul3A_116, %bitcast_convert_type3A_113 : vector<16xf32>
    %mul3A_118 = arith.mulf %mul3A_117, %bitcast_convert_type3A_113 : vector<16xf32>
    %sub3A_119 = arith.constant 1.500000e+00 : f32
    %sub3A_120 = vector.broadcast %sub3A_119 : f32 to vector<16xf32>
    %sub3A_121 = arith.subf %sub3A_120, %mul3A_118 : vector<16xf32>
    %mul3A_122 = arith.mulf %bitcast_convert_type3A_113, %sub3A_121 : vector<16xf32>
    %mul3A_123 = arith.constant 5.000000e-01 : f32
    %mul3A_124 = vector.broadcast %mul3A_123 : f32 to vector<16xf32>
    %mul3A_125 = arith.mulf %mul3A_124, %sub3A_105 : vector<16xf32>
    %mul3A_126 = arith.mulf %mul3A_125, %mul3A_122 : vector<16xf32>
    %mul3A_127 = arith.mulf %mul3A_126, %mul3A_122 : vector<16xf32>
    %sub3A_128 = arith.constant 1.500000e+00 : f32
    %sub3A_129 = vector.broadcast %sub3A_128 : f32 to vector<16xf32>
    %sub3A_130 = arith.subf %sub3A_129, %mul3A_127 : vector<16xf32>
    %mul3A_131 = arith.mulf %mul3A_122, %sub3A_130 : vector<16xf32>
    %mul3A_132 = arith.constant 5.000000e-01 : f32
    %mul3A_133 = vector.broadcast %mul3A_132 : f32 to vector<16xf32>
    %mul3A_134 = arith.mulf %mul3A_133, %sub3A_105 : vector<16xf32>
    %mul3A_135 = arith.mulf %mul3A_134, %mul3A_131 : vector<16xf32>
    %mul3A_136 = arith.mulf %mul3A_135, %mul3A_131 : vector<16xf32>
    %sub3A_137 = arith.constant 1.500000e+00 : f32
    %sub3A_138 = vector.broadcast %sub3A_137 : f32 to vector<16xf32>
    %sub3A_139 = arith.subf %sub3A_138, %mul3A_136 : vector<16xf32>
    %mul3A_140 = arith.mulf %mul3A_131, %sub3A_139 : vector<16xf32>
    %mul3A_141 = arith.mulf %sub3A_105, %mul3A_140 : vector<16xf32>
    %mul3A_142 = arith.constant 0.87758255 : f32
    %mul3A_143 = vector.broadcast %mul3A_142 : f32 to vector<16xf32>
    %mul3A_144 = arith.mulf %min3A_101, %mul3A_143 : vector<16xf32>
    %mul3A_145 = arith.constant 0.47942555 : f32
    %mul3A_146 = vector.broadcast %mul3A_145 : f32 to vector<16xf32>
    %mul3A_147 = arith.mulf %mul3A_141, %mul3A_146 : vector<16xf32>
    %sub3A_148 = arith.subf %mul3A_144, %mul3A_147 : vector<16xf32>
    %gt3A_149 = arith.constant -0.87758255 : f32
    %gt3A_150 = vector.broadcast %gt3A_149 : f32 to vector<16xf32>
    %gt3A_151 = arith.cmpf ogt, %min3A_101, %gt3A_150 : vector<16xf32>
    %sub3A_152 = arith.constant 0.239712775 : f32
    %sub3A_153 = vector.broadcast %sub3A_152 : f32 to vector<16xf32>
    %sub3A_154 = arith.subf %min3A_101, %sub3A_153 : vector<16xf32>
    %select_n3A_155 = arith.select %gt3A_151, %sub3A_148, %sub3A_154 : vector<16xi1>, vector<16xf32>
    %swap3A_156 = arith.constant 16 : index
    %swap3A_157 = tpu.vector_load %arg6[%swap3A_156] {strides = array<i32>} : memref<32xf32, #tpu.memory_space<vmem>>, vector<16xf32>,
    %swap3A_158 = vector.shape_cast %swap3A_157 : vector<16xf32> to vector<16xf32>
    %swap3A_159 = vector.shape_cast %select_n3A_155 : vector<16xf32> to vector<16xf32>
    tpu.vector_store %arg6[%swap3A_156], %swap3A_159 {strides = array<i32>} : memref<32xf32, #tpu.memory_space<vmem>>, vector<16xf32>,
    "tpu.region"() ({
      %run_scoped3A = tpu.sem_alloc : memref<!tpu.dma_semaphore, #tpu.memory_space<semaphore_mem>>
      %dma_start3A_160 = tpu.memref_slice %arg4[%mul3A_2] : memref<1024xf32, #tpu.memory_space<hbm>> -> memref<32xf32, #tpu.memory_space<hbm>>
      %dma_start3A_161 = tpu.memref_slice %arg4[%mul3A_2] : memref<1024xf32, #tpu.memory_space<hbm>> -> memref<32xf32, #tpu.memory_space<hbm>>
      tpu.enqueue_dma source(%arg6 : memref<32xf32, #tpu.memory_space<vmem>>) target(%dma_start3A_161 : memref<32xf32, #tpu.memory_space<hbm>>) target_semaphore(%run_scoped3A : memref<!tpu.dma_semaphore, #tpu.memory_space<semaphore_mem>>)
      %dma_wait3A_162 = tpu.memref_slice %arg4[%mul3A_2] : memref<1024xf32, #tpu.memory_space<hbm>> -> memref<32xf32, #tpu.memory_space<hbm>>
      %dma_wait3A_163 = tpu.memref_slice %arg4[%mul3A_2] : memref<1024xf32, #tpu.memory_space<hbm>> -> memref<32xf32, #tpu.memory_space<hbm>>
      tpu.wait_dma2 semaphore(%run_scoped3A : memref<!tpu.dma_semaphore, #tpu.memory_space<semaphore_mem>>) src(%arg6 : memref<32xf32, #tpu.memory_space<vmem>>) dst(%dma_wait3A_163 : memref<32xf32, #tpu.memory_space<hbm>>)
      tpu.yield
    }) : () -> ()
    return
  }
}

module attributes {stable_mosaic.version = 14 : i64} {
  func.func @_tc_body(%arg0: i32, %arg1: memref<1x1xf32, #tpu.memory_space<smem>>, %arg2: memref<8x1xi32, #tpu.memory_space<vmem>>, %arg3: memref<8x1xf32, #tpu.memory_space<vmem>>, %arg4: memref<8x100000xf32, #tpu.memory_space<vmem>>, %arg5: memref<8x100000xf32, #tpu.memory_space<vmem>>) attributes {dimension_semantics = [#tpu.dimension_semantics<parallel>], iteration_bounds = array<i64: 128>, scalar_prefetch = 0 : i64, scratch_operands = 0 : i64, tpu.core_type = #tpu.core_type<tc>, window_params = [{transform_indices = @transform_0, window_bounds = array<i64: 1, 1>}, {transform_indices = @transform_1, window_bounds = array<i64: 8, 1>}, {transform_indices = @transform_2, window_bounds = array<i64: 8, 1>}, {transform_indices = @transform_3, window_bounds = array<i64: 8, 100000>}, {transform_indices = @transform_4, window_bounds = array<i64: 8, 100000>}]} {
    %get3A = arith.constant 0 : index
    %get3A_0 = arith.constant 0 : index
    %get3A_1 = vector.load %arg4[%get3A, %get3A_0] : memref<8x100000xf32, #tpu.memory_space<vmem>>, vector<8x100000xf32>
    %iota3A = tpu.iota {dimensions = array<i32: 1>} : vector<8x100000xi32>
    %get3A_2 = arith.constant 0 : index
    %get3A_3 = arith.constant 0 : index
    %get3A_4 = vector.load %arg2[%get3A_2, %get3A_3] : memref<8x1xi32, #tpu.memory_space<vmem>>, vector<8x1xi32>
    %eq3A = vector.broadcast %get3A_4 : vector<8x1xi32> to vector<8x100000xi32>
    %eq3A_5 = arith.cmpi eq, %iota3A, %eq3A : vector<8x100000xi32>
    %get3A_6 = arith.constant 0 : index
    %get3A_7 = arith.constant 0 : index
    %get3A_8 = vector.load %arg3[%get3A_6, %get3A_7] : memref<8x1xf32, #tpu.memory_space<vmem>>, vector<8x1xf32>
    %broadcast_in_dim3A = vector.shape_cast %get3A_8 : vector<8x1xf32> to vector<8x1xf32>
    %broadcast_in_dim3A_9 = vector.broadcast %broadcast_in_dim3A : vector<8x1xf32> to vector<8x100000xf32>
    %select_n3A = arith.select %eq3A_5, %broadcast_in_dim3A_9, %get3A_1 : vector<8x100000xi1>, vector<8x100000xf32>
    %get3A_10 = arith.constant 0 : index
    %get3A_11 = arith.constant 0 : index
    %get3A_12 = memref.load %arg1[%get3A_10, %get3A_11] : memref<1x1xf32, #tpu.memory_space<smem>>
    %mul3A = vector.broadcast %get3A_12 : f32 to vector<8x100000xf32>
    %mul3A_13 = arith.mulf %select_n3A, %mul3A : vector<8x100000xf32>
    %swap3A = arith.constant 0 : index
    %swap3A_14 = arith.constant 0 : index
    %swap3A_15 = vector.load %arg5[%swap3A, %swap3A_14] : memref<8x100000xf32, #tpu.memory_space<vmem>>, vector<8x100000xf32>
    tpu.vector_store %arg5[%swap3A, %swap3A_14], %mul3A_13 {strides = array<i32>} : memref<8x100000xf32, #tpu.memory_space<vmem>>, vector<8x100000xf32>,
    return
  }
  func.func @transform_0(%arg0: i32) -> (i32, i32) {
    %c0_i32 = arith.constant 0 : i32
    %c0_i32_0 = arith.constant 0 : i32
    %c0_i32_1 = arith.constant 0 : i32
    return %c0_i32, %c0_i32_0 : i32, i32
  }
  func.func @transform_1(%arg0: i32) -> (i32, i32) {
    %c0_i32 = arith.constant 0 : i32
    %c0_i32_0 = arith.constant 0 : i32
    return %arg0, %c0_i32 : i32, i32
  }
  func.func @transform_2(%arg0: i32) -> (i32, i32) {
    %c0_i32 = arith.constant 0 : i32
    %c0_i32_0 = arith.constant 0 : i32
    return %arg0, %c0_i32 : i32, i32
  }
  func.func @transform_3(%arg0: i32) -> (i32, i32) {
    %c0_i32 = arith.constant 0 : i32
    %c0_i32_0 = arith.constant 0 : i32
    return %arg0, %c0_i32 : i32, i32
  }
  func.func @transform_4(%arg0: i32) -> (i32, i32) {
    %c0_i32 = arith.constant 0 : i32
    %c0_i32_0 = arith.constant 0 : i32
    return %arg0, %c0_i32 : i32, i32
  }
}

</mosaic_0001>

<sc_bundles>
// kernel: kernel.4.cloned.1.call-start
scs
__scs_entry_jumppad:
0x0: {  	(pc) =	sbr.rel $0x88, $3  }
0x1: {  	(tag) =	ssettag $0x0;
	lr =	simm.s32 $0x1  }
0x2: {  	[smem:$0x3F9E] =	sst lr;
	_ =	strace $0xD0000000  }
0x3: {  	_ = 	snop  }
0x4: {  	_ = 	snop  }
0x5: {  	_ = 	snop  }
0x6: {  	_ = 	snop  }
0x7: {  	_ = 	snop  }
__scs_overlays_trampoline_lowered:
0x8: {  	[smem:$0x3FAD] =	sst s0  }
0x9: {  	[smem:$0x3FAE] =	sst s1  }
0xa: {  	[smem:$0x3FAF] =	sst s2  }
0xb: {  	[smem:$0x3FB0] =	sst s3  }
0xc: {  	[smem:$0x3FB1] =	sst s4  }
0xd: {  	[smem:$0x3FB2] =	sst s5  }
0xe: {  	[smem:$0x3FB3] =	sst s6  }
0xf: {  	[smem:$0x3FB4] =	sst s7  }
0x10: {  	[smem:$0x3FB5] =	sst s8  }
0x11: {  	[smem:$0x3FB6] =	sst s9;
	s0 =	simm.s32 @!p0 $0x0  }
0x12: {  	s1 =	sld [smem:$0x3F9C];
	s0 =	simm.s32 @p0 $0x1  }
0x13: {  	[smem:$0x3FB7] =	sst s0;
	s0 =	simm.s32 @!p1 $0x0  }
0x14: {  	s2 =	sld [smem:$0x3F9B];
	s0 =	simm.s32 @p1 $0x1  }
0x15: {  	[smem:$0x3FB8] =	sst s0;
	s0 =	simm.s32 @!p2 $0x0  }
0x16: {  	s3 =	sld [smem:$0x3FDB];
	s0 =	simm.s32 @p2 $0x1  }
0x17: {  	s4 =	simm.s32 $0x1BF5;
	[smem:$0x3FBA] =	sst s0  }
0x18: {  	s0 =	sld [smem:$0x3F9D];
	_ =	swait.ge [sflag:s4], $0x0  }
0x19: {  	s7 =	sld [smem:$0x3F9E]  }
0x1a: {  	s8 =	sadd.s32 $0xFFFFE003, lr  }
0x1b: {  	s9 =	sadd.s32 $0xFFFFFEF7, lr;
	s5 =	simm.s32 $0xFFFFFFFF;
	p2 =	slt.u32 s8, $0xFFFFF086  }
0x1c: {  	p1 =	slt.u32 s9, $0xF7A;
	s5 =	simm.s32 @!p2 $0x0  }
0x1d: {  	s5 =	simm.s32 @p1 $0x1;
	p0 =	seq.s32 s7, s2  }
0x1e: {  	s7 =	smul.u32 @!p0 $0xF7A, s2;
	p2 =	seq.s32 @!p0 s5, $0x0  }
0x1f: {  	s9 =	smul.u32 $0xF7A, s1;
	s8 =	simm.s32 @!p0 $0x1BF5;
	p2 =	por !p2, p0  }
0x20: {  	[sflag:s8] =	ssyncset.s32 @!p0 $0xFFFFF086;
	s6 =	sadd.s32 @!p0 s3, s7;
	s7 =	simm.s32 @!p0 $0x108  }
0x21: {  	s3 =	sadd.s32 s3, s9;
	s6 =	sadd.s32 @!p0 $0x88, s6;
	s7 =	simm.s32 @p2 $0x1082  }
0x22: {  	[simem:s7], [sflag:s8] =	dma.local @!p0 [hbm:s6], $0xF7A  }
0x23: {  	s9 =	sor.u32 $0xD0000000, s2;
	s6 =	simm.s32 $0x108;
	_ =	swait.ge @!p0 [sflag:s8], $0x0  }
0x24: {  	s3 =	sadd.s32 $0x88, s3;
	s6 =	simm.s32 @!p1 $0x1082;
	[sflag:s4] =	ssyncset.s32 $0xFFFFF086  }
0x25: {  	[simem:s6], [sflag:s4] =	dma.local [hbm:s3], $0xF7A  }
0x26: {  	[smem:$0x3F9E] =	sst s1;
	(tag) =	ssettag s2;
	_ =	strace s9  }
0x27: {  	s1 =	sld [smem:$0x3FAE]  }
0x28: {  	s2 =	sld [smem:$0x3FAF]  }
0x29: {  	s4 =	sld [smem:$0x3FB1]  }
0x2a: {  	p0 =	seq.s32 s5, $0x0;
	s5 =	sld [smem:$0x3FB2]  }
0x2b: {  	s6 =	sld [smem:$0x3FB3]  }
0x2c: {  	s7 =	sld [smem:$0x3FB4]  }
0x2d: {  	s3 =	simm.s32 $0x108;
	s8 =	sld [smem:$0x3FB5]  }
0x2e: {  	s3 =	simm.s32 @!p0 $0x1082;
	s9 =	sld [smem:$0x3FB6]  }
0x2f: {  	lr =	sadd.s32 s0, s3;
	s0 =	sld [smem:$0x3FAD]  }
0x30: {  	s3 =	sld [smem:$0x3FB0]  }
0x31: {  	[smem:$0x3FB9] =	sst s10  }
0x32: {  	s10 =	sld [smem:$0x3FB7];
	_ =	sdelay $0x3  }
0x33: {  	p0 =	seq.s32 s10, $0x1;
	s10 =	sld [smem:$0x3FB9];
	_ =	sdelay $0x3  }
0x34: {  	[smem:$0x3FB9] =	sst s10  }
0x35: {  	s10 =	sld [smem:$0x3FB8];
	_ =	sdelay $0x3  }
0x36: {  	p1 =	seq.s32 s10, $0x1;
	s10 =	sld [smem:$0x3FB9];
	_ =	sdelay $0x3  }
0x37: {  	[smem:$0x3FB9] =	sst s10  }
0x38: {  	s10 =	sld [smem:$0x3FBA]  }
0x39: {  	_ = 	snop;
	(pc) =	sbr.ind lr, $3  }
0x3a: {  	_ = 	snop  }
0x3b: {  	_ = 	snop  }
0x3c: {  	p2 =	seq.s32 s10, $0x1;
	s10 =	sld [smem:$0x3FB9]  }
0x3d: {  	_ =	shalt  }
0x3e: {  	_ =	shalt  }
0x3f: {  	_ =	shalt  }
0x40: {  	_ =	shalt  }
0x41: {  	_ =	shalt  }
0x42: {  	_ =	shalt  }
0x43: {  	_ =	shalt  }
0x44: {  	_ =	shalt  }
0x45: {  	_ =	shalt  }
0x46: {  	_ =	shalt  }
0x47: {  	_ =	shalt  }
0x48: {  	_ =	shalt  }
0x49: {  	_ =	shalt  }
0x4a: {  	_ =	shalt  }
0x4b: {  	_ =	shalt  }
0x4c: {  	_ =	shalt  }
0x4d: {  	_ =	shalt  }
0x4e: {  	_ =	shalt  }
0x4f: {  	_ =	shalt  }
0x50: {  	_ =	shalt  }
0x51: {  	_ =	shalt  }
0x52: {  	_ =	shalt  }
0x53: {  	_ =	shalt  }
0x54: {  	_ =	shalt  }
0x55: {  	_ =	shalt  }
0x56: {  	_ =	shalt  }
0x57: {  	_ =	shalt  }
0x58: {  	_ =	shalt  }
0x59: {  	_ =	shalt  }
0x5a: {  	_ =	shalt  }
0x5b: {  	_ =	shalt  }
0x5c: {  	_ =	shalt  }
0x5d: {  	_ =	shalt  }
0x5e: {  	_ =	shalt  }
0x5f: {  	_ =	shalt  }
0x60: {  	_ =	shalt  }
0x61: {  	_ =	shalt  }
0x62: {  	_ =	shalt  }
0x63: {  	_ =	shalt  }
0x64: {  	_ =	shalt  }
0x65: {  	_ =	shalt  }
0x66: {  	_ =	shalt  }
0x67: {  	_ =	shalt  }
0x68: {  	_ =	shalt  }
0x69: {  	_ =	shalt  }
0x6a: {  	_ =	shalt  }
0x6b: {  	_ =	shalt  }
0x6c: {  	_ =	shalt  }
0x6d: {  	_ =	shalt  }
0x6e: {  	_ =	shalt  }
0x6f: {  	_ =	shalt  }
0x70: {  	_ =	shalt  }
0x71: {  	_ =	shalt  }
0x72: {  	_ =	shalt  }
0x73: {  	_ =	shalt  }
0x74: {  	_ =	shalt  }
0x75: {  	_ =	shalt  }
0x76: {  	_ =	shalt  }
0x77: {  	_ =	shalt  }
0x78: {  	_ =	shalt  }
0x79: {  	_ =	shalt  }
0x7a: {  	_ =	shalt  }
0x7b: {  	_ =	shalt  }
0x7c: {  	_ =	shalt  }
0x7d: {  	_ =	shalt  }
0x7e: {  	_ =	shalt  }
0x7f: {  	_ =	shalt  }
0x80: {  	_ =	shalt  }
0x81: {  	_ =	shalt  }
0x82: {  	_ =	shalt  }
0x83: {  	_ =	shalt  }
0x84: {  	_ =	shalt  }
0x85: {  	_ =	shalt  }
0x86: {  	_ =	shalt  }
0x87: {  	_ =	shalt  }
.Lfunc_end0:
.L_simem_size_0:
called_computation_lowered:
.L_overlay_start_0:
0x88: {  	s2 =	sld [smem:$0x3FD9]  }
0x89: {  	s3 =	sld [smem:$0x3FFE];
	_ =	sdelay $0x1  }
0x8a: {  	s1 =	srdreg.scid  }
0x8b: {  	s0 =	sand.u32 $0x1, s1  }
0x8c: {  	s17 =	sshll.u32 s0, $0xA;
	s2 =	sadd.s32 s3, s2  }
0x8d: {  	s2 =	sadd.s32 s2, s17  }
0x8e: {  	[smem:$0x3FC5] =	sst s2  }
0x8f: {  	_ = 	snop  }
0x90: {  	s2 =	sld [smem:$0x3FC8]  }
0x91: {  	s18 =	sld [smem:$0x3FD0];
	(tm) =	ssettm $0x1  }
0x92: {  	s4 =	sld [smem:$0x3FFB];
	_ =	sdelay $0x3  }
0x93: {  	_ =	strace s4  }
0x94: {  	s4 =	sld [smem:$0x3FFC];
	_ =	sdelay $0x3  }
0x95: {  	_ =	strace s4  }
0x96: {  	s4 =	sld [smem:$0x3FFD];
	_ =	sdelay $0x3  }
0x97: {  	_ =	strace s4  }
0x98: {  	_ =	strace $0x8FFFFFFF  }
0x99: {  	s19 =	sld [smem:$0x3FDB];
	_ =	sdelay $0x1  }
0x9a: {  	s5 =	simm.s32 $_scs_section_size  }
0x9b: {  	s6 =	simm.s32 $_size__tile_overlayer_lowered;
	s7 =	simm.s32 $_tile_overlayer_lowered  }
0x9c: {  	s22 =	simm.s32 $0x1BFF;
	s21 =	sshll.u32 s7, $0x1;
	s4 =	sadd.s32 s5, s19  }
0x9d: {  	s8 =	simm.s32 $0x0;
	s20 =	sshll.u32 s6, $0x1;
	s6 =	sadd.s32 s21, s4  }
0x9e: {  	[timem:s8], [sflag:s22] =	dma.local [hbm:s6], s20  }
0x9f: {  	_ =	swait.ge [sflag:s22], s20  }
0xa0: {  	s5 =	ssub.s32 $0x0, s20;
	[sflag:s22] =	ssyncset.done $0x0  }
0xa1: {  	[sflag:s22] =	ssyncadd.s32 s5;
	_ =	sdelay $0x1  }
0xa2: {  	s23 =	simm.s32 $0x1B8B  }
0xa3: {  	_ =	swait.ge [sflag:s23], $0x1  }
0xa4: {  	[sflag:s23] =	ssyncset.done $0x0  }
0xa5: {  	s25 =	simm.s32 $0x1B8E;
	s24 =	sld [smem:$0x3FFE];
	[sflag:s23] =	ssyncadd.s32 $0xFFFFFFFF  }
0xa6: {  	s26 =	simm.s32 $execute0_lowered;
	[smem:$0x3FD2] =	sst s25  }
0xa7: {  	s6 =	sshll.u32 s26, $0x1;
	_ =	strace $0x80000046;
	[dreg:$0x1] =	wrdreg $0xFFFFFFFF  }
0xa8: {  	s28 =	simm.s32 $_size_execute0_lowered;
	s4 =	sadd.s32 s4, s6;
	[dreg:$0x0] =	wrdreg $0x0  }
0xa9: {  	s6 =	sshll.u32 s28, $0x1;
	[dreg:$0x2] =	wrdreg s4  }
0xaa: {  	[dreg:$0x3] =	wrdreg s6  }
0xab: {  	[dreg:$0x4] =	wrdreg $0xC0  }
0xac: {  	_ =	task [dreg:s8], $0x5FFFF  }
0xad: {  	[dreg:$0x1] =	wrdreg $0xFFFFFFFF  }
0xae: {  	[dreg:$0x0] =	wrdreg $0x60  }
0xaf: {  	[dreg:$0x2] =	wrdreg s18  }
0xb0: {  	[dreg:$0x3] =	wrdreg s2  }
0xb1: {  	[dreg:$0x4] =	wrdreg s24  }
0xb2: {  	[dreg:$0x5] =	wrdreg $0x9  }
0xb3: {  	_ =	task.clear_ibuf [dreg:s8], $0x6FFFF;
	_ =	strace $0x90000046  }
0xb4: {  	s29 =	simm.s32 $0x9;
	_ =	strace $0x80000048  }
0xb5: {  	_ =	swait.ge [sflag:s29], $0x1  }
0xb6: {  	[sflag:s29] =	ssyncadd.s32 $0xFFFFFFFF  }
0xb7: {  	_ =	strace $0x90000048  }
0xb8: {  	_ =	sfence  }
0xb9: {  	s30 =	sld [smem:$0x0];
	_ =	sdelay $0x2  }
0xba: {  	s31 =	sshll.u32 s1, $0xD;
	s1 =	sshrl.u32 s1, $0x2  }
0xbb: {  	s3 =	sand.u32 $0x4000, s31;
	s1 =	sadd.s32 s1, s30  }
0xbc: {  	s0 =	sor.u32 s3, s0;
	s1 =	sshll.u32 s1, $0x11  }
0xbd: {  	s0 =	sor.u32 s1, s0  }
0xbe: {  	s0 =	sadd.s32 $0x8F2B, s0  }
0xbf: {  	[sflag:s0] =	ssyncadd.remote.s32 $0x1  }
0xc0: {  	_ =	sfence.sel $0xFFFF  }
0xc1: {  	[dreg:$0x0] =	wrdreg $0xFFFFFFFF;
	(pc) =	sbr.abs _section_cstart, $3  }
0xc2: {  	[dreg:$0x1] =	wrdreg $0xFFFFFFFF  }
0xc3: {  	_ =	task.clear_ibuf [dreg:s8], $0x2FFFF;
	_ =	strace $0x9FFFFFFF  }
0xc4: {  	(tm) =	ssettm $0x7FFFFFFF  }
0xc5: {  	_ =	shalt  }
tec
execute0_lowered:
.L_overlay_start_1:
0x0: {  	(tag) =	ssettag $0x1  }
0x1: {  	s2 =	rddreg [dreg:$0x0]  }
0x2: {  	s4 =	rddreg [dreg:$0x1];
	s3 =	srdreg.scid  }
0x3: {  	s10 =	rddreg [dreg:$0x2];
	s1 =	stileid.u32;
	s11 =	sand.u32 $0x1, s3  }
0x4: {  	s3 =	simm.s32 $0x0;
	s5 =	sshll.u32 s1, $0x6;
	s6 =	sshll.u32 s11, $0x5  }
0x5: {  	[smem:$0x7FF] =	sst s3;
	s7 =	sor.u32 s6, s5  }
0x6: {  	s0 =	rddreg [dreg:$0x3];
	_ =	strace $0x80000047;
	s12 =	sshrl.u32 s7, $0x3  }
0x7: {  	s6 =	simm.s32 $0x100;
	s5 =	sadd.s32 s4, s12;
	s4 =	simm.s32 $0x2  }
0x8: {  	[tilespmem:s6], [sflag:$0x2] =	stream.linear.gather [hbm4b:s5+s3], $0x20, $0x38;
	[tilespmem:$0x180] =	vst v63  }
0x9: {  	_ =	swait.ge [sflag:s4], $0x20  }
0xa: {  	[sflag:s4] =	ssyncset.done $0x0  }
0xb: {  	v0 =	vmov s7;
	s7 =	sor.u32 $0x10, s7;
	[sflag:s4] =	ssyncadd.s32 $0xFFFFFFE0  }
0xc: {  	v0 =	vmul.u32 $0x186A0, v0;
	v1 =	vmov s7;
	v2 =	vld [tilespmem:$0x100]  }
0xd: {  	v3 =	vlaneseq.u32;
	v1 =	vmul.u32 $0x186A0, v1;
	v4 =	vld [tilespmem:$0x110]  }
0xe: {  	v3 =	vmul.u32 $0x186A0, v3;
	v0 =	vbroadcast v0, $0x0  }
0xf: {  	v1 =	vbroadcast v1, $0x0  }
0x10: {  	v0 =	vadd.s32 v3, v0  }
0x11: {  	v1 =	vadd.s32 v3, v1;
	v2 =	vadd.s32 v2, v0  }
0x12: {  	[tilespmem:$0x0] =	vst v2;
	v2 =	vadd.s32 v4, v1  }
0x13: {  	s8 =	simm.s32 $0x80;
	s9 =	simm.s32 $0x1;
	s7 =	simm.s32 $0x20;
	[tilespmem:$0x10] =	vst v2  }
0x14: {  	[tilespmem:s8], [sflag:$0x1] =	stream.indirect.gather [hbm4b:s2+s7], $0x1, s3, s7, $0xb8;
	[tilespmem:$0x180] =	vst v63  }
0x15: {  	_ =	swait.ge [sflag:s9], $0x20  }
0x16: {  	[sflag:s9] =	ssyncset.done $0x0  }
0x17: {  	[sflag:s9] =	ssyncadd.s32 $0xFFFFFFE0  }
0x18: {  	v2 =	vld [tilespmem:$0x80]  }
0x19: {  	v3 =	vld [tilespmem:$0x90];
	_ =	sdelay $0x3  }
0x1a: {  	v2 =	vmax.f32 v2, $-9.999998800e-01  }
0x1b: {  	v3 =	vmax.f32 v3, $-9.999998800e-01;
	v2 =	vmin.f32 v2, $9.999998800e-01  }
0x1c: {  	v3 =	vmin.f32 v3, $9.999998800e-01;
	v58 =	vmul.f32 v2, v2  }
0x1d: {  	v5 =	vmul.f32 v3, v3  }
0x1e: {  	v4 =	vsub.f32 $1.000000000e+00, v58  }
0x1f: {  	v5 =	vsub.f32 $1.000000000e+00, v5  }
0x20: {  	v6 =	vshrl.u32 v4, $0x1;
	v7 =	vmul.f32 $5.000000000e-01, v4  }
0x21: {  	v8 =	vshrl.u32 v5, $0x1;
	v9 =	vmul.f32 $5.000000000e-01, v5;
	v6 =	vsub.s32 $0x5F3759DF, v6  }
0x22: {  	v8 =	vsub.s32 $0x5F3759DF, v8;
	v10 =	vmul.f32 v6, v7  }
0x23: {  	v11 =	vmul.f32 v8, v9  }
0x24: {  	v10 =	vmul.f32 v6, v10  }
0x25: {  	v11 =	vmul.f32 v8, v11  }
0x26: {  	v10 =	vsub.f32 $1.500000000e+00, v10  }
0x27: {  	v11 =	vsub.f32 $1.500000000e+00, v11  }
0x28: {  	v6 =	vmul.f32 v6, v10  }
0x29: {  	v8 =	vmul.f32 v8, v11  }
0x2a: {  	v10 =	vmul.f32 v6, v7  }
0x2b: {  	v11 =	vmul.f32 v8, v9  }
0x2c: {  	v10 =	vmul.f32 v10, v6  }
0x2d: {  	v11 =	vmul.f32 v11, v8  }
0x2e: {  	v10 =	vsub.f32 $1.500000000e+00, v10  }
0x2f: {  	v11 =	vsub.f32 $1.500000000e+00, v11  }
0x30: {  	v6 =	vmul.f32 v10, v6  }
0x31: {  	v8 =	vmul.f32 v11, v8  }
0x32: {  	v7 =	vmul.f32 v6, v7  }
0x33: {  	v9 =	vmul.f32 v8, v9  }
0x34: {  	v7 =	vmul.f32 v7, v6  }
0x35: {  	v9 =	vmul.f32 v9, v8  }
0x36: {  	v7 =	vsub.f32 $1.500000000e+00, v7  }
0x37: {  	v9 =	vsub.f32 $1.500000000e+00, v9  }
0x38: {  	v6 =	vmul.f32 v7, v6  }
0x39: {  	v59 =	vmul.f32 v9, v8  }
0x3a: {  	s11 =	ssub.s32 $0x2, s11;
	v4 =	vmul.f32 v6, v4  }
0x3b: {  	s13 =	sshrl.u32 s11, $0x1;
	v5 =	vmul.f32 v59, v5  }
0x3c: {  	s11 =	ssub.s32 s11, s13;
	v60 =	vmul.f32 $8.775825500e-01, v2;
	v4 =	vmul.f32 $4.794255500e-01, v4  }
0x3d: {  	s11 =	smax.u32 s11, $0x1;
	v61 =	vmul.f32 $8.775825500e-01, v3;
	v5 =	vmul.f32 $4.794255500e-01, v5  }
0x3e: {  	p0 =	sne.s32 s11, $0x1;
	v62 =	vadd.f32 $-2.397127750e-01, v2;
	v4 =	vsub.f32 v60, v4  }
.Ltmp0:
0x3f: {  	v63 =	vadd.f32 $-2.397127750e-01, v3;
	vm0 =	vgt.f32 v2, $-8.775825500e-01;
	v2 =	vsub.f32 v61, v5;
	(pc) =	sbr.rel @!p0 .LBB2_2-.Ltmp0, $4  }
0x40: {  	vm1 =	vgt.f32 v3, $-8.775825500e-01;
	v3 =	vsel vm0, v4, v62  }
0x41: {  	s10 =	sadd.s32 s12, s10;
	v2 =	vsel vm1, v2, v63;
	[tilespmem:$0x80] =	vst v3  }
0x42: {  	s10 =	sadd.s32 $0xC38600, s10;
	s11 =	sadd.s32 $0xFFFFFFFF, s11;
	[tilespmem:$0x90] =	vst v2  }
0x43: {  	[hbm4b:s10+s3] =	stream.linear.scatter [tilespmem:s8], [sflag:$0x2], $0x20, $0x38;
	[tilespmem:$0x180] =	vst v63  }
.LBB2_1:
0x44: {  	p0 =	sne.s32 s11, $0x1;
	s11 =	sadd.s32 $0xFFFFFFFF, s11;
	_ =	swait.ge [sflag:s4], $0x20  }
0x45: {  	[sflag:s4] =	ssyncset.done $0x0  }
0x46: {  	[sflag:s4] =	ssyncadd.s32 $0xFFFFFFE0  }
0x47: {  	[tilespmem:s6], [sflag:$0x2] =	stream.linear.gather [hbm4b:s5+s3], $0x20, $0x38;
	[tilespmem:$0x180] =	vst v63  }
0x48: {  	_ =	swait.ge [sflag:s4], $0x20  }
0x49: {  	[sflag:s4] =	ssyncset.done $0x0  }
0x4a: {  	[sflag:s4] =	ssyncadd.s32 $0xFFFFFFE0  }
0x4b: {  	v2 =	vld [tilespmem:$0x100]  }
0x4c: {  	v3 =	vld [tilespmem:$0x110];
	_ =	sdelay $0x3  }
0x4d: {  	v2 =	vadd.s32 v2, v0  }
0x4e: {  	[tilespmem:$0x0] =	vst v2;
	v2 =	vadd.s32 v3, v1  }
0x4f: {  	[tilespmem:$0x10] =	vst v2  }
0x50: {  	[tilespmem:s8], [sflag:$0x1] =	stream.indirect.gather [hbm4b:s2+s7], $0x1, s3, s7, $0xb8;
	[tilespmem:$0x180] =	vst v63  }
0x51: {  	_ =	swait.ge [sflag:s9], $0x20  }
0x52: {  	[sflag:s9] =	ssyncset.done $0x0  }
0x53: {  	[sflag:s9] =	ssyncadd.s32 $0xFFFFFFE0  }
0x54: {  	v2 =	vld [tilespmem:$0x80]  }
0x55: {  	v3 =	vld [tilespmem:$0x90];
	_ =	sdelay $0x3  }
0x56: {  	v2 =	vmax.f32 v2, $-9.999998800e-01  }
0x57: {  	v2 =	vmin.f32 v2, $9.999998800e-01;
	v3 =	vmax.f32 v3, $-9.999998800e-01  }
0x58: {  	v4 =	vmul.f32 v2, v2;
	v3 =	vmin.f32 v3, $9.999998800e-01  }
0x59: {  	v5 =	vmul.f32 v3, v3  }
0x5a: {  	v4 =	vsub.f32 $1.000000000e+00, v4  }
0x5b: {  	v5 =	vsub.f32 $1.000000000e+00, v5  }
0x5c: {  	v6 =	vshrl.u32 v4, $0x1;
	v7 =	vmul.f32 $5.000000000e-01, v4  }
0x5d: {  	v6 =	vsub.s32 $0x5F3759DF, v6;
	v8 =	vshrl.u32 v5, $0x1;
	v9 =	vmul.f32 $5.000000000e-01, v5  }
0x5e: {  	v10 =	vmul.f32 v6, v7;
	v8 =	vsub.s32 $0x5F3759DF, v8  }
0x5f: {  	v11 =	vmul.f32 v8, v9  }
0x60: {  	v10 =	vmul.f32 v6, v10  }
0x61: {  	v11 =	vmul.f32 v8, v11  }
0x62: {  	v10 =	vsub.f32 $1.500000000e+00, v10  }
0x63: {  	v11 =	vsub.f32 $1.500000000e+00, v11  }
0x64: {  	v6 =	vmul.f32 v6, v10  }
0x65: {  	v8 =	vmul.f32 v8, v11  }
0x66: {  	v10 =	vmul.f32 v6, v7  }
0x67: {  	v11 =	vmul.f32 v8, v9  }
0x68: {  	v10 =	vmul.f32 v10, v6  }
0x69: {  	v11 =	vmul.f32 v11, v8  }
0x6a: {  	v10 =	vsub.f32 $1.500000000e+00, v10  }
0x6b: {  	v11 =	vsub.f32 $1.500000000e+00, v11  }
0x6c: {  	v6 =	vmul.f32 v10, v6  }
0x6d: {  	v8 =	vmul.f32 v11, v8  }
0x6e: {  	v7 =	vmul.f32 v6, v7  }
0x6f: {  	v9 =	vmul.f32 v8, v9  }
0x70: {  	v7 =	vmul.f32 v7, v6  }
0x71: {  	v9 =	vmul.f32 v9, v8  }
0x72: {  	v7 =	vsub.f32 $1.500000000e+00, v7  }
0x73: {  	v9 =	vsub.f32 $1.500000000e+00, v9  }
0x74: {  	v6 =	vmul.f32 v7, v6  }
0x75: {  	v7 =	vmul.f32 v9, v8  }
0x76: {  	v4 =	vmul.f32 v6, v4;
	v6 =	vmul.f32 $8.775825500e-01, v2  }
0x77: {  	v5 =	vmul.f32 v7, v5;
	v7 =	vmul.f32 $8.775825500e-01, v3  }
0x78: {  	v4 =	vmul.f32 $4.794255500e-01, v4  }
0x79: {  	v8 =	vadd.f32 $-2.397127750e-01, v2;
	v9 =	vadd.f32 $-2.397127750e-01, v3;
	v5 =	vmul.f32 $4.794255500e-01, v5  }
0x7a: {  	vm0 =	vgt.f32 v2, $-8.775825500e-01;
	vm1 =	vgt.f32 v3, $-8.775825500e-01;
	v4 =	vsub.f32 v6, v4  }
.Ltmp1:
0x7b: {  	v2 =	vsub.f32 v7, v5;
	(pc) =	sbr.rel @p0 .LBB2_1-.Ltmp1, $4  }
0x7c: {  	v3 =	vsel vm0, v4, v8  }
0x7d: {  	[tilespmem:$0x80] =	vst v3;
	v2 =	vsel vm1, v2, v9  }
0x7e: {  	[tilespmem:$0x90] =	vst v2  }
0x7f: {  	[hbm4b:s10+s3] =	stream.linear.scatter [tilespmem:s8], [sflag:$0x2], $0x20, $0x38;
	[tilespmem:$0x180] =	vst v63  }
.LBB2_2:
0x80: {  	_ =	swait.ge [sflag:s4], $0x20  }
0x81: {  	[sflag:s4] =	ssyncset.done $0x0  }
0x82: {  	[sflag:s4] =	ssyncadd.s32 $0xFFFFFFE0  }
0x83: {  	_ =	sfence.sel $0x180000  }
0x84: {  	[bflag:$0x0] =	sbarrier.arrive $0xFFFF  }
0x85: {  	p0 =	sne.s32 s1, $0x0;
	_ =	strace $0x90000047  }
0x86: {  	s0 =	sadd.s32 @!p0 $0x100000, s0;
	[bflag:$0x2] =	sbarrier.arrive $0xFFFF  }
0x87: {  	[sflag:s0] =	ssyncadd.tile.s32 @!p0 $0x1;
	_ =	shalt  }
.Lfunc_end2:
_tile_overlayer_lowered:
.L_overlay_start_2:
0x88: {  	(tag) =	ssettag $0x2  }
0x89: {  	s0 =	rddreg [dreg:$0x0];
	s2 =	stileid.u32  }
0x8a: {  	s1 =	rddreg [dreg:$0x1];
	p0 =	sne.s32 s2, $0x0  }
0x8b: {  	s3 =	rddreg [dreg:$0x2];
	[bflag:$0x3] =	sbarrier.arrive $0xFFFF;
	s2 =	simm.s32 @!p0 $0x1C02  }
0x8c: {  	[timem:s3], [sflag:s2] =	dma.local @!p0 [hbm:s0], s1  }
0x8d: {  	s0 =	simm.s32 @!p0 $0x2  }
0x8e: {  	_ =	swait.ge @!p0 [sflag:s0], s1  }
0x8f: {  	s1 =	ssub.s32 @!p0 $0x0, s1;
	[sflag:s0] =	ssyncset.done @!p0 $0x0  }
0x90: {  	[sflag:s0] =	ssyncadd.s32 @!p0 s1  }
0x91: {  	[bflag:$0x3] =	sbarrier.arrive $0xFFFF  }
0x92: {  	_ =	shalt  }

</sc_bundles>
